<compile_context>
chip_gen: v7x
topology: tpu7x:2x2x1
jax: 0.10.2.dev20260603
libtpu: 0.0.44.dev20260713+nightly
codegen_flags: <defaults>
</compile_context>

<pallas_src>
import functools

import jax
import jax.numpy as jnp
from jax.experimental import pallas as pl
from jax.experimental.pallas import tpu as pltpu

_EPS = 1e-06
_BLK = 2048


def _ln_body(x_ref, m_ref, w_ref, b_ref, j_ref, o_ref):
    x = x_ref[...]
    c = x.shape[-1]
    j = j_ref[...]
    xb = x.astype(jnp.bfloat16)
    s1 = jax.lax.dot_general(xb, j, (((1,), (0,)), ((), ())),
                             preferred_element_type=jnp.float32)
    s2 = jax.lax.dot_general(xb * xb, j, (((1,), (0,)), ((), ())),
                             preferred_element_type=jnp.float32)
    u = s1 * (1.0 / c)
    v = s2 * (1.0 / c) - u * u
    r = jax.lax.rsqrt(v + _EPS) * m_ref[...]
    o_ref[...] = (x - u) * (r * w_ref[...]) + m_ref[...] * b_ref[...]


def kernel(x, active, weight, bias):
    B, H, W, C = x.shape
    hr = H // active.shape[2]
    wr = W // active.shape[3]
    N = B * H * W
    m = jnp.repeat(jnp.repeat(active[:, 0], hr, axis=1), wr, axis=2)
    m = m.reshape(N, 1).astype(x.dtype)
    x2 = x.reshape(N, C)
    ones_j = jnp.ones((C, C), dtype=jnp.bfloat16)
    grid = N // _BLK
    out = pl.pallas_call(
        _ln_body,
        grid=(grid,),
        in_specs=[
            pl.BlockSpec((_BLK, C), lambda i: (i, 0)),
            pl.BlockSpec((_BLK, 1), lambda i: (i, 0)),
            pl.BlockSpec((1, C), lambda i: (0, 0)),
            pl.BlockSpec((1, C), lambda i: (0, 0)),
            pl.BlockSpec((C, C), lambda i: (0, 0)),
        ],
        out_specs=pl.BlockSpec((_BLK, C), lambda i: (i, 0)),
        out_shape=jax.ShapeDtypeStruct((N, C), x.dtype),
    )(x2, m, weight.reshape(1, C), bias.reshape(1, C), ones_j)
    return out.reshape(B, H, W, C)

# --- scband reference (transcript-rebuilt; emitter-appended) ---
"""Pipeline reference for scband-sparse-conv-ne-xt-layer-norm-1726576857584 (READ-ONLY COPY).

The authoritative reference and input builder live on the scoring server;
editing this copy changes nothing except your own understanding.
"""

import jax, jax.numpy as jnp
import numpy as np

EPS = 1e-06

def setup_inputs(seed: int = 0) -> dict:
    key = jax.random.key(seed)
    k1, k2, k3, k4 = jax.random.split(key, 4)
    x = jax.random.normal(k1, (32, 128, 128, 96), dtype=jnp.float32)
    # _cur_active mask at 32x downsample resolution (B, 1, 16, 16), values in {0, 1}
    active = jax.random.randint(k2, (32, 1, 16, 16), 0, 2, dtype=jnp.int32)
    # LayerNorm affine params (elementwise_affine=True): weight init ~1, bias init 0
    weight = jnp.ones((96,), dtype=jnp.float32) + 0.02 * jax.random.normal(k3, (96,), dtype=jnp.float32)
    bias = 0.02 * jax.random.normal(k4, (96,), dtype=jnp.float32)
    return {"x": x, "active": active, "weight": weight, "bias": bias}

def reference(x, active, weight, bias):
    # channels_last sparse path of SparseConvNeXtLayerNorm:
    # torch gathers active (b,h,w) positions via nonzero, applies LayerNorm over C,
    # then scatters the normalized rows back into a zero tensor. Since LayerNorm is
    # strictly per-position over the channel dim, this is mathematically identical
    # to applying LayerNorm everywhere and zeroing the inactive positions.
    B, H, W, C = x.shape
    hr = H // active.shape[2]
    wr = W // active.shape[3]
    mask = jnp.repeat(jnp.repeat(active, hr, axis=2), wr, axis=3)  # (B,1,H,W)
    mask = mask[:, 0, :, :, None].astype(x.dtype)  # (B,H,W,1)
    u = jnp.mean(x, axis=-1, keepdims=True)
    s = jnp.mean((x - u) ** 2, axis=-1, keepdims=True)  # biased variance, same as F.layer_norm
    xn = (x - u) / jnp.sqrt(s + EPS)
    out = (xn * weight + bias) * mask
    return out

if __name__ == "__main__":
    import jax
    _d = setup_inputs()
    print(jax.jit(kernel)(*tuple(_d.values())))

</pallas_src>

<mosaic_0001>
module attributes {stable_mosaic.version = 14 : i64} {
  func.func @_ln_body(%arg0: i32, %arg1: memref<2048x96xf32, #tpu.memory_space<vmem>>, %arg2: memref<2048x1xf32, #tpu.memory_space<vmem>>, %arg3: memref<1x96xf32, #tpu.memory_space<vmem>>, %arg4: memref<1x96xf32, #tpu.memory_space<vmem>>, %arg5: memref<96x96xbf16, #tpu.memory_space<vmem>>, %arg6: memref<2048x96xf32, #tpu.memory_space<vmem>>) attributes {dimension_semantics = [#tpu.dimension_semantics<arbitrary>], iteration_bounds = array<i64: 256>, scalar_prefetch = 0 : i64, scratch_operands = 0 : i64, tpu.core_type = #tpu.core_type<tc>, window_params = [{transform_indices = @transform_0, window_bounds = array<i64: 2048, 96>}, {transform_indices = @transform_1, window_bounds = array<i64: 2048, 1>}, {pipeline_mode = #tpu.pipeline_mode<synchronous>, transform_indices = @transform_2, window_bounds = array<i64: 1, 96>}, {pipeline_mode = #tpu.pipeline_mode<synchronous>, transform_indices = @transform_3, window_bounds = array<i64: 1, 96>}, {pipeline_mode = #tpu.pipeline_mode<synchronous>, transform_indices = @transform_4, window_bounds = array<i64: 96, 96>}, {transform_indices = @transform_5, window_bounds = array<i64: 2048, 96>}]} {
    %get3A = arith.constant 0 : index
    %get3A_0 = arith.constant 0 : index
    %get3A_1 = vector.load %arg1[%get3A, %get3A_0] : memref<2048x96xf32, #tpu.memory_space<vmem>>, vector<2048x96xf32>
    %get3A_2 = arith.constant 0 : index
    %get3A_3 = arith.constant 0 : index
    %get3A_4 = vector.load %arg5[%get3A_2, %get3A_3] : memref<96x96xbf16, #tpu.memory_space<vmem>>, vector<96x96xbf16>
    %convert_element_type3A = arith.truncf %get3A_1 : vector<2048x96xf32> to vector<2048x96xbf16>
    %dot_general3A = arith.constant dense<0.000000e+00> : vector<2048x96xf32>
    %dot_general3A_5 = tpu.matmul %convert_element_type3A, %get3A_4, %dot_general3A {dimension_numbers = #tpu.dot_dimension_numbers<[1], [0], [0], [1], [0, 0, 1, 1], [], []>, transpose_lhs_hint = false} : vector<2048x96xbf16>, vector<96x96xbf16>, vector<2048x96xf32> -> vector<2048x96xf32>
    %mul3A = arith.mulf %convert_element_type3A, %convert_element_type3A : vector<2048x96xbf16>
    %dot_general3A_6 = arith.constant dense<0.000000e+00> : vector<2048x96xf32>
    %dot_general3A_7 = tpu.matmul %mul3A, %get3A_4, %dot_general3A_6 {dimension_numbers = #tpu.dot_dimension_numbers<[1], [0], [0], [1], [0, 0, 1, 1], [], []>, transpose_lhs_hint = false} : vector<2048x96xbf16>, vector<96x96xbf16>, vector<2048x96xf32> -> vector<2048x96xf32>
    %mul3A_8 = arith.constant 0.010416667 : f32
    %mul3A_9 = vector.broadcast %mul3A_8 : f32 to vector<2048x96xf32>
    %mul3A_10 = arith.mulf %dot_general3A_5, %mul3A_9 : vector<2048x96xf32>
    %mul3A_11 = arith.constant 0.010416667 : f32
    %mul3A_12 = vector.broadcast %mul3A_11 : f32 to vector<2048x96xf32>
    %mul3A_13 = arith.mulf %dot_general3A_7, %mul3A_12 : vector<2048x96xf32>
    %mul3A_14 = arith.mulf %mul3A_10, %mul3A_10 : vector<2048x96xf32>
    %sub3A = arith.subf %mul3A_13, %mul3A_14 : vector<2048x96xf32>
    %add3A = arith.constant 9.99999997E-7 : f32
    %add3A_15 = vector.broadcast %add3A : f32 to vector<2048x96xf32>
    %add3A_16 = arith.addf %sub3A, %add3A_15 : vector<2048x96xf32>
    %rsqrt3A = math.rsqrt %add3A_16 : vector<2048x96xf32>
    %get3A_17 = arith.constant 0 : index
    %get3A_18 = arith.constant 0 : index
    %get3A_19 = vector.load %arg2[%get3A_17, %get3A_18] : memref<2048x1xf32, #tpu.memory_space<vmem>>, vector<2048x1xf32>
    %mul3A_20 = vector.broadcast %get3A_19 : vector<2048x1xf32> to vector<2048x96xf32>
    %mul3A_21 = arith.mulf %rsqrt3A, %mul3A_20 : vector<2048x96xf32>
    %sub3A_22 = arith.subf %get3A_1, %mul3A_10 : vector<2048x96xf32>
    %get3A_23 = arith.constant 0 : index
    %get3A_24 = arith.constant 0 : index
    %get3A_25 = vector.load %arg3[%get3A_23, %get3A_24] : memref<1x96xf32, #tpu.memory_space<vmem>>, vector<1x96xf32>
    %mul3A_26 = vector.broadcast %get3A_25 : vector<1x96xf32> to vector<2048x96xf32>
    %mul3A_27 = arith.mulf %mul3A_21, %mul3A_26 : vector<2048x96xf32>
    %mul3A_28 = arith.mulf %sub3A_22, %mul3A_27 : vector<2048x96xf32>
    %get3A_29 = arith.constant 0 : index
    %get3A_30 = arith.constant 0 : index
    %get3A_31 = vector.load %arg2[%get3A_29, %get3A_30] : memref<2048x1xf32, #tpu.memory_space<vmem>>, vector<2048x1xf32>
    %get3A_32 = arith.constant 0 : index
    %get3A_33 = arith.constant 0 : index
    %get3A_34 = vector.load %arg4[%get3A_32, %get3A_33] : memref<1x96xf32, #tpu.memory_space<vmem>>, vector<1x96xf32>
    %mul3A_35 = vector.broadcast %get3A_31 : vector<2048x1xf32> to vector<2048x96xf32>
    %mul3A_36 = vector.broadcast %get3A_34 : vector<1x96xf32> to vector<2048x96xf32>
    %mul3A_37 = arith.mulf %mul3A_35, %mul3A_36 : vector<2048x96xf32>
    %add3A_38 = arith.addf %mul3A_28, %mul3A_37 : vector<2048x96xf32>
    %swap3A = arith.constant 0 : index
    %swap3A_39 = arith.constant 0 : index
    %swap3A_40 = vector.load %arg6[%swap3A, %swap3A_39] : memref<2048x96xf32, #tpu.memory_space<vmem>>, vector<2048x96xf32>
    tpu.vector_store %arg6[%swap3A, %swap3A_39], %add3A_38 {strides = array<i32>} : memref<2048x96xf32, #tpu.memory_space<vmem>>, vector<2048x96xf32>,
    return
  }
  func.func @transform_0(%arg0: i32) -> (i32, i32) {
    %c0_i32 = arith.constant 0 : i32
    %c0_i32_0 = arith.constant 0 : i32
    return %arg0, %c0_i32 : i32, i32
  }
  func.func @transform_1(%arg0: i32) -> (i32, i32) {
    %c0_i32 = arith.constant 0 : i32
    %c0_i32_0 = arith.constant 0 : i32
    return %arg0, %c0_i32 : i32, i32
  }
  func.func @transform_2(%arg0: i32) -> (i32, i32) {
    %c0_i32 = arith.constant 0 : i32
    %c0_i32_0 = arith.constant 0 : i32
    %c0_i32_1 = arith.constant 0 : i32
    return %c0_i32, %c0_i32_0 : i32, i32
  }
  func.func @transform_3(%arg0: i32) -> (i32, i32) {
    %c0_i32 = arith.constant 0 : i32
    %c0_i32_0 = arith.constant 0 : i32
    %c0_i32_1 = arith.constant 0 : i32
    return %c0_i32, %c0_i32_0 : i32, i32
  }
  func.func @transform_4(%arg0: i32) -> (i32, i32) {
    %c0_i32 = arith.constant 0 : i32
    %c0_i32_0 = arith.constant 0 : i32
    %c0_i32_1 = arith.constant 0 : i32
    return %c0_i32, %c0_i32_0 : i32, i32
  }
  func.func @transform_5(%arg0: i32) -> (i32, i32) {
    %c0_i32 = arith.constant 0 : i32
    %c0_i32_0 = arith.constant 0 : i32
    return %arg0, %c0_i32 : i32, i32
  }
}

</mosaic_0001>

<sc_bundles>
// kernel: sparse-core-data-format-call.cloned.1.call-start
scs
called_computation_lowered:
.L_overlay_start_0:
0x0: {  	s2 =	sld [smem:$0x3FD9]  }
0x1: {  	s3 =	sld [smem:$0x3FFE];
	_ =	sdelay $0x1  }
0x2: {  	s1 =	srdreg.scid  }
0x3: {  	s0 =	sand.u32 $0x1, s1  }
0x4: {  	s18 =	sshll.u32 s0, $0xA;
	s2 =	sadd.s32 s3, s2  }
0x5: {  	s2 =	sadd.s32 s2, s18  }
0x6: {  	[smem:$0x3FC4] =	sst s2  }
0x7: {  	_ = 	snop  }
0x8: {  	s2 =	sld [smem:$0x3FD0];
	(tm) =	ssettm $0x1  }
0x9: {  	s19 =	sld [smem:$0x3FFB];
	_ =	sdelay $0x3  }
0xa: {  	_ =	strace s19  }
0xb: {  	s3 =	sld [smem:$0x3FFC];
	_ =	sdelay $0x3  }
0xc: {  	_ =	strace s3  }
0xd: {  	s3 =	sld [smem:$0x3FFD];
	_ =	sdelay $0x3  }
0xe: {  	_ =	strace s3  }
0xf: {  	_ =	strace $0x8FFFFFFF  }
0x10: {  	s20 =	sld [smem:$0x3FDB];
	_ =	sdelay $0x1  }
0x11: {  	s4 =	simm.s32 $_scs_section_size  }
0x12: {  	s5 =	simm.s32 $_size__tile_overlayer_lowered;
	s6 =	simm.s32 $_tile_overlayer_lowered  }
0x13: {  	s23 =	simm.s32 $0x1BFF;
	s22 =	sshll.u32 s6, $0x1;
	s3 =	sadd.s32 s4, s20  }
0x14: {  	s7 =	simm.s32 $0x0;
	s21 =	sshll.u32 s5, $0x1;
	s5 =	sadd.s32 s22, s3  }
0x15: {  	[timem:s7], [sflag:s23] =	dma.local [hbm:s5], s21  }
0x16: {  	_ =	swait.ge [sflag:s23], s21  }
0x17: {  	s4 =	ssub.s32 $0x0, s21;
	[sflag:s23] =	ssyncset.done $0x0  }
0x18: {  	[sflag:s23] =	ssyncadd.s32 s4;
	_ =	sdelay $0x1  }
0x19: {  	s24 =	simm.s32 $0x1B8B  }
0x1a: {  	_ =	swait.ge [sflag:s24], $0x1  }
0x1b: {  	[sflag:s24] =	ssyncset.done $0x0  }
0x1c: {  	s26 =	simm.s32 $0x1B8E;
	s25 =	sld [smem:$0x3FFE];
	[sflag:s24] =	ssyncadd.s32 $0xFFFFFFFF  }
0x1d: {  	s27 =	simm.s32 $execute0_lowered;
	[smem:$0x3FD2] =	sst s26  }
0x1e: {  	s5 =	sshll.u32 s27, $0x1;
	_ =	strace $0x80000046;
	[dreg:$0x1] =	wrdreg $0xFFFFFFFF  }
0x1f: {  	s28 =	simm.s32 $_size_execute0_lowered;
	s3 =	sadd.s32 s3, s5;
	[dreg:$0x0] =	wrdreg $0x0  }
0x20: {  	s5 =	sshll.u32 s28, $0x1;
	[dreg:$0x2] =	wrdreg s3  }
0x21: {  	[dreg:$0x3] =	wrdreg s5  }
0x22: {  	[dreg:$0x4] =	wrdreg $0xC0  }
0x23: {  	_ =	task [dreg:s7], $0x5FFFF  }
0x24: {  	[dreg:$0x1] =	wrdreg $0xFFFFFFFF  }
0x25: {  	[dreg:$0x0] =	wrdreg $0x60  }
0x26: {  	[dreg:$0x2] =	wrdreg s25  }
0x27: {  	[dreg:$0x3] =	wrdreg s2  }
0x28: {  	[dreg:$0x4] =	wrdreg $0x9  }
0x29: {  	_ =	task.clear_ibuf [dreg:s7], $0x5FFFF;
	_ =	strace $0x90000046  }
0x2a: {  	s29 =	simm.s32 $0x9;
	_ =	strace $0x80000048  }
0x2b: {  	_ =	swait.ge [sflag:s29], $0x1  }
0x2c: {  	[sflag:s29] =	ssyncadd.s32 $0xFFFFFFFF  }
0x2d: {  	_ =	strace $0x90000048  }
0x2e: {  	_ =	sfence  }
0x2f: {  	s30 =	sld [smem:$0x0];
	_ =	sdelay $0x2  }
0x30: {  	s31 =	sshll.u32 s1, $0xD;
	s1 =	sshrl.u32 s1, $0x2  }
0x31: {  	s3 =	sand.u32 $0x4000, s31;
	s1 =	sadd.s32 s1, s30  }
0x32: {  	s0 =	sor.u32 s3, s0;
	s1 =	sshll.u32 s1, $0x11  }
0x33: {  	s0 =	sor.u32 s1, s0  }
0x34: {  	s0 =	sadd.s32 $0x8F2B, s0  }
0x35: {  	[sflag:s0] =	ssyncadd.remote.s32 $0x1  }
0x36: {  	_ =	sfence.sel $0xFFFF  }
0x37: {  	[dreg:$0x0] =	wrdreg $0xFFFFFFFF;
	(pc) =	sbr.abs _section_cstart, $3  }
0x38: {  	[dreg:$0x1] =	wrdreg $0xFFFFFFFF  }
0x39: {  	_ =	task.clear_ibuf [dreg:s7], $0x2FFFF;
	_ =	strace $0x9FFFFFFF  }
0x3a: {  	(tm) =	ssettm $0x7FFFFFFF  }
0x3b: {  	_ =	shalt  }
tec
execute0_lowered:
.L_overlay_start_1:
0x0: {  	(tag) =	ssettag $0x1  }
0x1: {  	s1 =	rddreg [dreg:$0x0]  }
0x2: {  	s2 =	rddreg [dreg:$0x1]  }
0x3: {  	s0 =	rddreg [dreg:$0x2]  }
0x4: {  	s4 =	srdreg.scid;
	_ =	strace $0x80000047;
	s6 =	simm.s32 $0x2  }
0x5: {  	p0 =	por $0x0, $0x0;
	s12 =	simm.s32 $0x0;
	s13 =	simm.s32 $0x0  }
.Ltmp0:
0x6: {  	s8 =	simm.s32 $0x0;
	s9 =	simm.s32 $0x0;
	(pc) =	sbr.rel .LBB1_1-.Ltmp0, $4  }
0x7: {  	s10 =	simm.s32 $0x0;
	s3 =	sadd.s32 $0x1000800, s1;
	s4 =	sshll.u32 s4, $0x4  }
0x8: {  	s1 =	stileid.u32;
	s5 =	sand.u32 $0x10, s4;
	s4 =	simm.s32 $0x1  }
0x9: {  	s7 =	simm.s32 $0x0;
	s5 =	sor.u32 s1, s5;
	[sflag:s4] =	ssyncpa.u1 $0x0  }
0xa: {  	[sflag:s6] =	ssyncpa.u1 $0x0;
	s6 =	simm.s32 $0x0;
	s11 =	smov.u32 s5  }
.LBB1_5:
0xb: {  	p1 =	slt.u32 s7, $0x2;
	s15 =	smov.u32 s13;
	s7 =	sadd.s32 $0x1, s7  }
0xc: {  	p0 =	por !p0, !p0;
	p2 =	sgt.s32 @!p1 s13, $0x1F;
	s14 =	sshra.s32 @!p1 s13, $0x1F  }
0xd: {  	p3 =	sgt.s32 @!p1 s12, $0x7F;
	s16 =	sshra.s32 @!p1 s12, $0x1F;
	p2 =	por !p2, p1  }
0xe: {  	s13 =	sand.u32 @!p1 s14, s13;
	p3 =	por !p3, p1;
	s14 =	smov.u32 s12  }
0xf: {  	s12 =	sand.u32 @!p1 s16, s12;
	s15 =	simm.s32 @p2 $0x1F;
	s14 =	simm.s32 @p3 $0x7F  }
0x10: {  	s16 =	smov.u32 s11;
	s13 =	ssub.s32 @!p1 s15, s13;
	s12 =	ssub.s32 @!p1 s14, s12  }
0x11: {  	s14 =	sadd.s32 @!p1 $0xFFFFFFE1, s13;
	s13 =	ssub.s32 @!p1 $0x20, s13;
	s15 =	sadd.s32 @!p1 $0xFFFFFF81, s12  }
0x12: {  	p2 =	sgt.s32 @!p1 s14, $0x0;
	p3 =	sgt.s32 @!p1 s15, $0x0;
	s13 =	smul.u32 @!p1 $0xC000, s13  }
0x13: {  	s12 =	ssub.s32 @!p1 $0x80, s12;
	p3 =	por !p3, p1;
	p2 =	por !p2, p1  }
0x14: {  	s14 =	sadd.s32 $0x1, s10;
	s12 =	simm.s32 @!p3 $0x0;
	s13 =	simm.s32 @!p2 $0x0  }
0x15: {  	p2 =	sgt.s32 s14, $0x7F;
	s12 =	smul.u32 @!p1 s12, s13;
	s13 =	sadd.s32 $0x20, s11  }
0x16: {  	s14 =	simm.s32 @p2 $0x0;
	s16 =	smov.u32 @p2 s13;
	p2 =	sne.s32 s7, $0x82  }
.Ltmp1:
0x17: {  	s15 =	simm.s32 @!p1 $0x2;
	s13 =	smov.u32 s9;
	(pc) =	sbr.rel @!p2 .LBB1_6-.Ltmp1, $4  }
0x18: {  	s9 =	smov.u32 s11;
	s12 =	sshrl.u32 @!p1 s12, $0x2;
	p3 =	sgt.s32 s16, $0x1F  }
0x19: {  	_ =	swait.ge @!p1 [sflag:s15], s12;
	s17 =	ssub.s32 @!p1 $0x0, s12;
	s12 =	smov.u32 s8  }
0x1a: {  	s16 =	smov.u32 @p3 s5;
	s8 =	smov.u32 s10;
	[sflag:s15] =	ssyncset.done @!p1 $0x0  }
0x1b: {  	s10 =	smov.u32 s14;
	s11 =	smov.u32 s16;
	[sflag:s15] =	ssyncadd.s32 @!p1 s17  }
.LBB1_1:
0x1c: {  	p1 =	sgt.u32 s7, $0x7F  }
0x1d: {  	s14 =	sxor.u32 @!p1 $0xFFFFFFFF, s7;
	s15 =	sshll.u32 @!p1 s11, $0x12  }
0x1e: {  	s16 =	sshll.u32 @!p1 s10, $0xB;
	s14 =	sshll.u32 @!p1 s14, $0xE;
	s15 =	sadd.s32 @!p1 s3, s15  }
0x1f: {  	s14 =	sand.u32 @!p1 $0x4000, s14;
	s15 =	sadd.s32 @!p1 s16, s15;
	s16 =	simm.s32 @!p1 $0x0  }
0x20: {  	[tilespmem:s14], [sflag:$0x1] =	stream.linear.gather @!p1 [hbm4b:s15+s16], $0x4000, $0x38;
	[tilespmem:$0x10100] =	vst v63  }
0x21: {  	p1 =	seq.s32 s7, $0x0  }
0x22: {  	p2 =	seq.s32 @!p1 s7, $0x81  }
0x23: {  	p1 =	por p1, p2  }
.Ltmp2:
0x24: {  	_ = 	snop;
	(pc) =	sbr.rel @p1 .LBB1_5-.Ltmp2, $1  }
0x25: {  	_ =	sdelay $0x3  }
0x26: {  	s14 =	simm.s32 $0x1  }
0x27: {  	_ =	swait.ge [sflag:s4], $0x4000;
	s14 =	simm.s32 @!p0 $0x0  }
0x28: {  	[sflag:s4] =	ssyncset.done $0x0;
	s15 =	sshll.u32 s14, $0xE  }
0x29: {  	[sflag:s4] =	ssyncadd.s32 $0xFFFFC000;
	s15 =	sor.u32 $0x40, s15  }
0x2a: {  	s14 =	smul.u32 $0x10200, s14;
	v0 =	vld [tilespmem:s15+$0x30]  }
0x2b: {  	v1 =	vld [tilespmem:s15+$0xFFFFFFD0]  }
0x2c: {  	s14 =	sshrl.u32 s14, $0x2;
	v5 =	vld [tilespmem:s15+$0xFFFFFFE0]  }
0x2d: {  	v6 =	vld [tilespmem:s15+$0xFFFFFFF0];
	s16 =	sor.u32 $0x8000, s14  }
0x2e: {  	s31 =	sand.u32 $0x1, s7;
	v4 =	vld [tilespmem:s15+$0x0];
	s17 =	sadd.s32 $0x0, s16  }
0x2f: {  	v3 =	vld [tilespmem:s15+$0x10];
	s14 =	smul.u32 $0x10200, s31;
	[tilespmem:s17+$0x3870 ss:$0x81] =	vst.msk $0xffff, v0  }
0x30: {  	v2 =	vld [tilespmem:s15+$0x20];
	[tilespmem:s17+$0x810 ss:$0x81] =	vst.msk $0xffff, v1  }
0x31: {  	s14 =	sshrl.u32 s14, $0x2;
	v0 =	vld [tilespmem:s15+$0xFFFFFFC0];
	[tilespmem:s17+$0x1020 ss:$0x81] =	vst.msk $0xffff, v5;
	s15 =	sadd.s32 $0x80, s15  }
0x32: {  	s18 =	simm.s32 $0x4;
	s19 =	simm.s32 $0x8;
	s14 =	sor.u32 $0x8000, s14;
	[tilespmem:s17+$0x1830 ss:$0x81] =	vst.msk $0xffff, v6;
	v1 =	vld [tilespmem:s15+$0x30]  }
.LBB1_3:
0x33: {  	p1 =	sne.s32 s19, $0x1FC;
	v5 =	vld [tilespmem:s15+$0xFFFFFFD0];
	[tilespmem:s17+$0x2040 ss:$0x81] =	vst.msk $0xffff, v4  }
0x34: {  	v6 =	vld [tilespmem:s15+$0xFFFFFFE0];
	[tilespmem:s17+$0x2850 ss:$0x81] =	vst.msk $0xffff, v3  }
0x35: {  	s20 =	sshra.s32 s18, $0x2;
	s18 =	smov.u32 s19;
	v7 =	vld [tilespmem:s15+$0xFFFFFFF0];
	[tilespmem:s17+$0x3060 ss:$0x81] =	vst.msk $0xffff, v2  }
.Ltmp3:
0x36: {  	v4 =	vld [tilespmem:s15+$0x0];
	[tilespmem:s17+$0x0 ss:$0x81] =	vst.msk $0xffff, v0;
	s17 =	sadd.s32 s20, s16;
	(pc) =	sbr.rel @p1 .LBB1_3-.Ltmp3, $4  }
0x37: {  	v3 =	vld [tilespmem:s15+$0x10];
	[tilespmem:s17+$0x3870 ss:$0x81] =	vst.msk $0xffff, v1  }
0x38: {  	[tilespmem:s17+$0x810 ss:$0x81] =	vst.msk $0xffff, v5;
	v2 =	vld [tilespmem:s15+$0x20]  }
0x39: {  	v0 =	vld [tilespmem:s15+$0xFFFFFFC0];
	[tilespmem:s17+$0x1020 ss:$0x81] =	vst.msk $0xffff, v6;
	s15 =	sadd.s32 $0x80, s15  }
0x3a: {  	s19 =	sadd.s32 $0x4, s19;
	v1 =	vld [tilespmem:s15+$0x30];
	[tilespmem:s17+$0x1830 ss:$0x81] =	vst.msk $0xffff, v7  }
0x3b: {  	p1 =	sgt.s32 s9, $0x1F;
	s19 =	smov.u32 s9;
	v5 =	vld [tilespmem:s15+$0xFFFFFFD0];
	[tilespmem:s17+$0x2040 ss:$0x81] =	vst.msk $0xffff, v4  }
0x3c: {  	s20 =	sshra.s32 s9, $0x1F;
	v58 =	vld [tilespmem:s15+$0xFFFFFFE0];
	s21 =	sshra.s32 s8, $0x1F;
	s18 =	sshra.s32 s18, $0x2;
	[tilespmem:s17+$0x2850 ss:$0x81] =	vst.msk $0xffff, v3  }
0x3d: {  	v59 =	vld [tilespmem:s15+$0xFFFFFFF0];
	s19 =	simm.s32 @!p1 $0x1F;
	s20 =	sand.u32 s20, s9;
	p1 =	sgt.s32 s8, $0x7F;
	[tilespmem:s17+$0x3060 ss:$0x81] =	vst.msk $0xffff, v2  }
0x3e: {  	v60 =	vld [tilespmem:s15+$0x0];
	s16 =	sadd.s32 s18, s16;
	s19 =	ssub.s32 s19, s20;
	s20 =	smov.u32 s8;
	[tilespmem:s17+$0x0 ss:$0x81] =	vst.msk $0xffff, v0  }
0x3f: {  	v61 =	vld [tilespmem:s15+$0x10];
	s29 =	smul.u32 $0x30000, s9;
	s21 =	sand.u32 s21, s8;
	s20 =	simm.s32 @!p1 $0x7F;
	[tilespmem:s16+$0x3870 ss:$0x81] =	vst.msk $0xffff, v1  }
0x40: {  	v62 =	vld [tilespmem:s15+$0x20];
	s30 =	smul.u32 $0x600, s8;
	s26 =	ssub.s32 $0x20, s19;
	s27 =	ssub.s32 s20, s21;
	[tilespmem:s16+$0x810 ss:$0x81] =	vst.msk $0xffff, v5  }
0x41: {  	v63 =	vld [tilespmem:s15+$0xFFFFFFC0];
	s19 =	sadd.s32 $0xFFFFFFE1, s19;
	s17 =	smul.u32 $0xC000, s26;
	s20 =	sadd.s32 $0xFFFFFF81, s27;
	[tilespmem:s16+$0x1020 ss:$0x81] =	vst.msk $0xffff, v58  }
0x42: {  	p1 =	sgt.s32 s19, $0x0;
	s18 =	ssub.s32 $0x80, s27;
	[tilespmem:s16+$0x1830 ss:$0x81] =	vst.msk $0xffff, v59;
	p2 =	sgt.s32 s20, $0x0  }
.Ltmp4:
0x43: {  	[tilespmem:s16+$0x2040 ss:$0x81] =	vst.msk $0xffff, v60;
	s17 =	simm.s32 @p1 $0x0;
	s18 =	simm.s32 @p2 $0x0;
	(pc) =	sbr.rel .LBB1_5-.Ltmp4, $4  }
0x44: {  	[tilespmem:s16+$0x2850 ss:$0x81] =	vst.msk $0xffff, v61;
	s28 =	smul.u32 s18, s17  }
0x45: {  	[tilespmem:s16+$0x3060 ss:$0x81] =	vst.msk $0xffff, v62;
	s17 =	sadd.s32 s2, s29  }
0x46: {  	[tilespmem:s16+$0x0 ss:$0x81] =	vst.msk $0xffff, v63;
	s31 =	sadd.s32 s30, s17;
	s15 =	sshrl.u32 s28, $0x2  }
0x47: {  	[hbm4b:s31+s6] =	stream.linear.scatter [tilespmem:s14], [sflag:$0x2], s15, $0x20;
	[tilespmem:$0x10100] =	vst v63  }
.LBB1_6:
0x48: {  	_ =	sfence.sel $0x180000  }
0x49: {  	s2 =	simm.s32 $0x1;
	[bflag:$0x0] =	sbarrier.arrive $0xFFFF  }
0x4a: {  	s31 =	simm.s32 $0x2;
	[sflag:s2] =	ssyncpa.u1 $0x1  }
0x4b: {  	[sflag:s31] =	ssyncpa.u1 $0x1  }
0x4c: {  	p0 =	sne.s32 s1, $0x0;
	_ =	strace $0x90000047  }
0x4d: {  	s0 =	sadd.s32 @!p0 $0x100000, s0;
	[bflag:$0x2] =	sbarrier.arrive $0xFFFF  }
0x4e: {  	[sflag:s0] =	ssyncadd.tile.s32 @!p0 $0x1;
	_ =	shalt  }
.Lfunc_end1:
_tile_overlayer_lowered:
.L_overlay_start_2:
0x4f: {  	(tag) =	ssettag $0x2  }
0x50: {  	s0 =	rddreg [dreg:$0x0];
	s2 =	stileid.u32  }
0x51: {  	s1 =	rddreg [dreg:$0x1];
	p0 =	sne.s32 s2, $0x0  }
0x52: {  	s3 =	rddreg [dreg:$0x2];
	[bflag:$0x3] =	sbarrier.arrive $0xFFFF;
	s2 =	simm.s32 @!p0 $0x1C01  }
0x53: {  	[timem:s3], [sflag:s2] =	dma.local @!p0 [hbm:s0], s1  }
0x54: {  	s0 =	simm.s32 @!p0 $0x1  }
0x55: {  	_ =	swait.ge @!p0 [sflag:s0], s1  }
0x56: {  	s1 =	ssub.s32 @!p0 $0x0, s1;
	[sflag:s0] =	ssyncset.done @!p0 $0x0  }
0x57: {  	[sflag:s0] =	ssyncadd.s32 @!p0 s1  }
0x58: {  	[bflag:$0x3] =	sbarrier.arrive $0xFFFF  }
0x59: {  	_ =	shalt  }

</sc_bundles>
